<compile_context>
chip_gen: v7x
topology: tpu7x:2x2x1
jax: 0.10.2.dev20260603
libtpu: 0.0.44.dev20260713+nightly
codegen_flags: <defaults>
</compile_context>

<pallas_src>
import functools

import jax
import jax.numpy as jnp
from jax import lax
from jax.experimental import pallas as pl
from jax.experimental.pallas import tpu as pltpu
from jax.experimental.pallas import tpu_sc as plsc

_N_E = 1024
_E_DIM = 256
_BETA = 0.25
_T = 4608
_BLK = 512
_NBLK = _T // _BLK
_NC = 2
_NS = 16
_ROWS_PER_W = _T // (_NC * _NS)


def _codebook_body(w_ref, mw_ref, mb_ref, cbT_ref, cb_ref, sc_ref):
    cbT = (
        lax.dot_general(w_ref[...], mw_ref[...], (((0,), (1,)), ((), ())),
                        preferred_element_type=jnp.float32)
        + mb_ref[...]
    )
    cbT_ref[...] = cbT
    cb_ref[...] = cbT.T
    sc_ref[...] = jnp.sum(cbT ** 2, axis=0, keepdims=True)


def _assign_body(z_ref, cbT_ref, sc_ref, idx_ref, idxc_ref, cnt_ref, acc_ref):
    zb = z_ref[...]
    cbT = cbT_ref[...]
    sz = jnp.sum(zb ** 2, axis=1, keepdims=True)
    sc = sc_ref[...]
    scores = jnp.dot(zb, cbT, preferred_element_type=jnp.float32)
    d = (sz + sc) - 2.0 * scores
    m = jnp.min(d, axis=1, keepdims=True)
    iota = lax.broadcasted_iota(jnp.int32, d.shape, 1)
    idx = jnp.min(jnp.where(d == m, iota, jnp.int32(_N_E)),
                  axis=1, keepdims=True)
    idx_ref[...] = idx.T
    idxc_ref[...] = idx

    @pl.when(pl.program_id(0) == 0)
    def _():
        acc_ref[...] = jnp.zeros_like(acc_ref)

    acc_ref[...] += jnp.sum((iota == idx).astype(jnp.float32),
                            axis=0, keepdims=True)

    @pl.when(pl.program_id(0) == _NBLK - 1)
    def _():
        cnt_ref[...] = acc_ref[...]


def _onehot_body(idxc_ref, enc_ref):
    iota = lax.broadcasted_iota(jnp.int32, (_BLK, _N_E), 1)
    enc_ref[...] = (iota == idxc_ref[...]).astype(jnp.float32)


def _finalize_body(zp_ref, zq_ref, cnt_ref, out_ref, loss_ref, perp_ref):
    zp = zp_ref[...]
    diff = zq_ref[...] - zp
    out_ref[...] = zp + diff
    m = jnp.mean(diff ** 2)
    loss_ref[...] = jnp.full((1, 1), m + _BETA * m, jnp.float32)
    e_mean = cnt_ref[...] * (1.0 / _T)
    ent = -jnp.sum(e_mean * jnp.log(e_mean + 1e-10))
    perp_ref[...] = jnp.full((1, 1), jnp.exp(ent), jnp.float32)


def _sc_gather(codebook, idx_flat):
    mesh = plsc.VectorSubcoreMesh(core_axis_name="c", subcore_axis_name="s")

    @functools.partial(
        pl.kernel,
        mesh=mesh,
        out_type=jax.ShapeDtypeStruct((_T, _E_DIM), jnp.float32),
        scratch_types=[
            pltpu.VMEM((2 * 128,), jnp.int32),
            pltpu.VMEM((_ROWS_PER_W, _E_DIM), jnp.float32),
            pltpu.SemaphoreType.DMA,
        ],
    )
    def k(table_hbm, idx_hbm, out_hbm, idx_v, rows_v, sem):
        wid = lax.axis_index("s") * _NC + lax.axis_index("c")
        base = wid * _ROWS_PER_W
        win = (base // 128) * 128
        off = base - win
        pltpu.sync_copy(idx_hbm.at[0, pl.ds(win, 2 * 128)], idx_v)
        pltpu.async_copy(
            table_hbm.at[idx_v.at[pl.ds(off, _ROWS_PER_W)]], rows_v, sem
        ).wait()
        pltpu.sync_copy(rows_v, out_hbm.at[pl.ds(base, _ROWS_PER_W)])

    return k(codebook, idx_flat)


def kernel(z, weights, map_w, map_b):
    f32 = jnp.float32
    mb_row = map_b.reshape(1, _N_E)
    zp = jnp.transpose(z, (0, 2, 3, 1))
    z_flat = zp.reshape(_T, _E_DIM)

    cbT, codebook, sc_row = pl.pallas_call(
        _codebook_body,
        out_shape=[
            jax.ShapeDtypeStruct((_E_DIM, _N_E), f32),
            jax.ShapeDtypeStruct((_N_E, _E_DIM), f32),
            jax.ShapeDtypeStruct((1, _N_E), f32),
        ],
    )(weights, map_w, mb_row)

    idx_row, idx_col, counts = pl.pallas_call(
        _assign_body,
        grid=(_NBLK,),
        in_specs=[
            pl.BlockSpec((_BLK, _E_DIM), lambda i: (i, 0)),
            pl.BlockSpec((_E_DIM, _N_E), lambda i: (0, 0)),
            pl.BlockSpec((1, _N_E), lambda i: (0, 0)),
        ],
        out_specs=[
            pl.BlockSpec((1, _BLK), lambda i: (0, i)),
            pl.BlockSpec((_BLK, 1), lambda i: (i, 0)),
            pl.BlockSpec((1, _N_E), lambda i: (0, 0)),
        ],
        out_shape=[
            jax.ShapeDtypeStruct((1, _T), jnp.int32),
            jax.ShapeDtypeStruct((_T, 1), jnp.int32),
            jax.ShapeDtypeStruct((1, _N_E), f32),
        ],
        scratch_shapes=[pltpu.VMEM((1, _N_E), f32)],
    )(z_flat, cbT, sc_row)

    zq_flat = _sc_gather(codebook, idx_row)

    enc = pl.pallas_call(
        _onehot_body,
        grid=(_NBLK,),
        in_specs=[pl.BlockSpec((_BLK, 1), lambda i: (i, 0))],
        out_specs=pl.BlockSpec((_BLK, _N_E), lambda i: (i, 0)),
        out_shape=jax.ShapeDtypeStruct((_T, _N_E), f32),
    )(idx_col)

    zq_fwd, loss11, perp11 = pl.pallas_call(
        _finalize_body,
        out_shape=[
            jax.ShapeDtypeStruct((_T, _E_DIM), f32),
            jax.ShapeDtypeStruct((1, 1), f32),
            jax.ShapeDtypeStruct((1, 1), f32),
        ],
    )(z_flat, zq_flat, counts)

    z_q = jnp.transpose(zq_fwd.reshape(8, 24, 24, _E_DIM), (0, 3, 1, 2))
    loss = loss11.reshape(())
    perplexity = perp11.reshape(())
    return (loss, z_q, perplexity, enc, idx_row.reshape(_T, 1))

# --- scband reference (transcript-rebuilt; emitter-appended) ---
"""Pipeline reference for scband-vector-quantizer-74629351735513 (READ-ONLY COPY).

The authoritative reference and input builder live on the scoring server;
editing this copy changes nothing except your own understanding.
"""

import jax, jax.numpy as jnp
import numpy as np

N_E = 1024
E_DIM = 256
BETA = 0.25
W0 = 2048  # source weights rows (weights arg to __init__ has shape [W0, e_dim])


def setup_inputs(seed: int = 0) -> dict:
    key = jax.random.key(seed)
    k1, k2, k3, k4 = jax.random.split(key, 4)
    z = jax.random.normal(k1, (8, 256, 24, 24), dtype=jnp.float32)
    weights = jax.random.normal(k2, (W0, E_DIM), dtype=jnp.float32) * 0.02
    map_w = jax.random.normal(k3, (N_E, W0), dtype=jnp.float32) * (1.0 / np.sqrt(W0))
    map_b = jax.random.normal(k4, (N_E,), dtype=jnp.float32) * 0.01
    return {"z": z, "weights": weights, "map_w": map_w, "map_b": map_b}


def reference(z, weights, map_w, map_b):
    # weights is detached in the torch module
    w = jax.lax.stop_gradient(weights)
    w = jnp.transpose(w, (1, 0))            # [e_dim, W0]
    w = w @ map_w.T + map_b                  # Linear(W0 -> n_e): [e_dim, n_e]
    codebook = jnp.transpose(w, (1, 0))      # [n_e, e_dim]

    zp = jnp.transpose(z, (0, 2, 3, 1))      # [B, H, W, C]
    z_flat = zp.reshape(-1, E_DIM)           # [T, e_dim]

    d = (jnp.sum(z_flat ** 2, axis=1, keepdims=True)
         + jnp.sum(codebook ** 2, axis=1)
         - 2.0 * (z_flat @ codebook.T))      # [T, n_e]

    min_encoding_indices = jnp.argmin(d, axis=1)[:, None]   # [T, 1]
    T = z_flat.shape[0]
    min_encodings = jnp.zeros((T, N_E), dtype=z_flat.dtype).at[
        jnp.arange(T), min_encoding_indices[:, 0]].set(1.0)

    z_q = (min_encodings @ codebook).reshape(zp.shape)

    loss = (jnp.mean((jax.lax.stop_gradient(z_q) - zp) ** 2)
            + BETA * jnp.mean((z_q - jax.lax.stop_gradient(zp)) ** 2))

    z_q = zp + jax.lax.stop_gradient(z_q - zp)

    e_mean = jnp.mean(min_encodings, axis=0)
    perplexity = jnp.exp(-jnp.sum(e_mean * jnp.log(e_mean + 1e-10)))

    z_q = jnp.transpose(z_q, (0, 3, 1, 2))   # back to [B, C, H, W]
    return (loss, z_q, perplexity, min_encodings, min_encoding_indices)

if __name__ == "__main__":
    import jax
    _d = setup_inputs()
    print(jax.jit(kernel)(*tuple(_d.values())))

</pallas_src>

<mosaic_0001>
#map = affine_map<(d0, d1) -> (0, 0)>
module attributes {stable_mosaic.version = 14 : i64} {
  func.func @k(%arg0: i32, %arg1: i32, %arg2: memref<1024x256xf32, #tpu.memory_space<hbm>>, %arg3: memref<1x4608xi32, #tpu.memory_space<hbm>>, %arg4: memref<4608x256xf32, #tpu.memory_space<hbm>>, %arg5: memref<256xi32, #tpu.memory_space<vmem>>, %arg6: memref<144x256xf32, #tpu.memory_space<vmem>>, %arg7: memref<!tpu.dma_semaphore, #tpu.memory_space<semaphore_mem>>) attributes {dimension_semantics = [#tpu.dimension_semantics<core_parallel>, #tpu.dimension_semantics<subcore_parallel>], iteration_bounds = array<i64: 2, 16>, scalar_prefetch = 0 : i64, scratch_operands = 3 : i64, tpu.core_type = #tpu.core_type<sc_vector_subcore>, window_params = [{transform_indices = #map}, {transform_indices = #map}, {transform_indices = #map}]} {
    %mul3A = arith.constant 2 : i32
    %mul3A_0 = arith.muli %arg1, %mul3A : i32
    %add3A = arith.addi %mul3A_0, %arg0 : i32
    %mul3A_1 = arith.constant 144 : i32
    %mul3A_2 = arith.muli %add3A, %mul3A_1 : i32
    %jit3A = arith.constant 128 : i32
    %div3A = arith.divsi %mul3A_2, %jit3A : i32
    %sign3A = arith.constant 0 : i32
    %sign3A_3 = arith.cmpi sgt, %mul3A_2, %sign3A : i32
    %sign3A_4 = arith.extui %sign3A_3 : i1 to i32
    %sign3A_5 = arith.constant 0 : i32
    %sign3A_6 = arith.cmpi slt, %mul3A_2, %sign3A_5 : i32
    %sign3A_7 = arith.extui %sign3A_6 : i1 to i32
    %sign3A_8 = arith.subi %sign3A_4, %sign3A_7 : i32
    %sign3A_9 = arith.constant 0 : i32
    %sign3A_10 = arith.cmpi sgt, %jit3A, %sign3A_9 : i32
    %sign3A_11 = arith.extui %sign3A_10 : i1 to i32
    %sign3A_12 = arith.constant 0 : i32
    %sign3A_13 = arith.cmpi slt, %jit3A, %sign3A_12 : i32
    %sign3A_14 = arith.extui %sign3A_13 : i1 to i32
    %sign3A_15 = arith.subi %sign3A_11, %sign3A_14 : i32
    %ne3A = arith.cmpi ne, %sign3A_8, %sign3A_15 : i32
    %rem3A = arith.remsi %mul3A_2, %jit3A : i32
    %ne3A_16 = arith.constant 0 : i32
    %ne3A_17 = arith.cmpi ne, %rem3A, %ne3A_16 : i32
    %and3A = arith.andi %ne3A, %ne3A_17 : i1
    %sub3A = arith.constant 1 : i32
    %sub3A_18 = arith.subi %div3A, %sub3A : i32
    %select_n3A = arith.select %and3A, %sub3A_18, %div3A : i32
    %mul3A_19 = arith.constant 128 : i32
    %mul3A_20 = arith.muli %select_n3A, %mul3A_19 : i32
    %sub3A_21 = arith.subi %mul3A_2, %mul3A_20 : i32
    %run_scoped3A = arith.constant 0 : i32
    "tpu.region"() ({
      %run_scoped3A_28 = tpu.sem_alloc : memref<!tpu.dma_semaphore, #tpu.memory_space<semaphore_mem>>
      %dma_start3A_29 = tpu.memref_slice %arg3[%run_scoped3A, %mul3A_20] : memref<1x4608xi32, #tpu.memory_space<hbm>> -> memref<1x256xi32, #tpu.memory_space<hbm>>
      %dma_start3A_30 = tpu.memref_squeeze %dma_start3A_29 : memref<1x256xi32, #tpu.memory_space<hbm>> -> memref<256xi32, #tpu.memory_space<hbm>>
      %dma_start3A_31 = tpu.memref_slice %arg3[%run_scoped3A, %mul3A_20] : memref<1x4608xi32, #tpu.memory_space<hbm>> -> memref<1x256xi32, #tpu.memory_space<hbm>>
      %dma_start3A_32 = tpu.memref_squeeze %dma_start3A_31 : memref<1x256xi32, #tpu.memory_space<hbm>> -> memref<256xi32, #tpu.memory_space<hbm>>
      tpu.enqueue_dma source(%dma_start3A_32 : memref<256xi32, #tpu.memory_space<hbm>>) target(%arg5 : memref<256xi32, #tpu.memory_space<vmem>>) target_semaphore(%run_scoped3A_28 : memref<!tpu.dma_semaphore, #tpu.memory_space<semaphore_mem>>)
      %dma_wait3A_33 = tpu.memref_slice %arg3[%run_scoped3A, %mul3A_20] : memref<1x4608xi32, #tpu.memory_space<hbm>> -> memref<1x256xi32, #tpu.memory_space<hbm>>
      %dma_wait3A_34 = tpu.memref_squeeze %dma_wait3A_33 : memref<1x256xi32, #tpu.memory_space<hbm>> -> memref<256xi32, #tpu.memory_space<hbm>>
      %dma_wait3A_35 = tpu.memref_slice %arg3[%run_scoped3A, %mul3A_20] : memref<1x4608xi32, #tpu.memory_space<hbm>> -> memref<1x256xi32, #tpu.memory_space<hbm>>
      %dma_wait3A_36 = tpu.memref_squeeze %dma_wait3A_35 : memref<1x256xi32, #tpu.memory_space<hbm>> -> memref<256xi32, #tpu.memory_space<hbm>>
      tpu.wait_dma2 semaphore(%run_scoped3A_28 : memref<!tpu.dma_semaphore, #tpu.memory_space<semaphore_mem>>) src(%dma_wait3A_36 : memref<256xi32, #tpu.memory_space<hbm>>) dst(%arg5 : memref<256xi32, #tpu.memory_space<vmem>>)
      tpu.yield
    }) : () -> ()
    %dma_start3A = tpu.memref_slice %arg5[%sub3A_21] : memref<256xi32, #tpu.memory_space<vmem>> -> memref<144xi32, #tpu.memory_space<vmem>>
    %dma_start3A_22 = arith.constant 0 : i32
    %dma_start3A_23 = arith.constant 0 : i32
    %dma_start3A_24 = tpu.memref_slice %arg2[%dma_start3A_22, %dma_start3A_23] : memref<1024x256xf32, #tpu.memory_space<hbm>> -> memref<1024x256xf32, #tpu.memory_space<hbm>>
    tpu.enqueue_indirect_dma source(%dma_start3A_24 : memref<1024x256xf32, #tpu.memory_space<hbm>>) target(%arg6 : memref<144x256xf32, #tpu.memory_space<vmem>>) offsets(%dma_start3A : memref<144xi32, #tpu.memory_space<vmem>>) semaphore(%arg7 : memref<!tpu.dma_semaphore, #tpu.memory_space<semaphore_mem>>)
    %dma_wait3A = tpu.memref_slice %arg5[%sub3A_21] : memref<256xi32, #tpu.memory_space<vmem>> -> memref<144xi32, #tpu.memory_space<vmem>>
    %dma_wait3A_25 = arith.constant 0 : i32
    %dma_wait3A_26 = arith.constant 0 : i32
    %dma_wait3A_27 = tpu.memref_slice %arg2[%dma_wait3A_25, %dma_wait3A_26] : memref<1024x256xf32, #tpu.memory_space<hbm>> -> memref<1024x256xf32, #tpu.memory_space<hbm>>
    tpu.wait_indirect_dma semaphore(%arg7 : memref<!tpu.dma_semaphore, #tpu.memory_space<semaphore_mem>>) src(%dma_wait3A_27 : memref<1024x256xf32, #tpu.memory_space<hbm>>) dst(%arg6 : memref<144x256xf32, #tpu.memory_space<vmem>>)
    "tpu.region"() ({
      %run_scoped3A_28 = tpu.sem_alloc : memref<!tpu.dma_semaphore, #tpu.memory_space<semaphore_mem>>
      %dma_start3A_29 = arith.constant 0 : i32
      %dma_start3A_30 = tpu.memref_slice %arg4[%mul3A_2, %dma_start3A_29] : memref<4608x256xf32, #tpu.memory_space<hbm>> -> memref<144x256xf32, #tpu.memory_space<hbm>>
      %dma_start3A_31 = arith.constant 0 : i32
      %dma_start3A_32 = tpu.memref_slice %arg4[%mul3A_2, %dma_start3A_31] : memref<4608x256xf32, #tpu.memory_space<hbm>> -> memref<144x256xf32, #tpu.memory_space<hbm>>
      tpu.enqueue_dma source(%arg6 : memref<144x256xf32, #tpu.memory_space<vmem>>) target(%dma_start3A_32 : memref<144x256xf32, #tpu.memory_space<hbm>>) target_semaphore(%run_scoped3A_28 : memref<!tpu.dma_semaphore, #tpu.memory_space<semaphore_mem>>)
      %dma_wait3A_33 = arith.constant 0 : i32
      %dma_wait3A_34 = tpu.memref_slice %arg4[%mul3A_2, %dma_wait3A_33] : memref<4608x256xf32, #tpu.memory_space<hbm>> -> memref<144x256xf32, #tpu.memory_space<hbm>>
      %dma_wait3A_35 = arith.constant 0 : i32
      %dma_wait3A_36 = tpu.memref_slice %arg4[%mul3A_2, %dma_wait3A_35] : memref<4608x256xf32, #tpu.memory_space<hbm>> -> memref<144x256xf32, #tpu.memory_space<hbm>>
      tpu.wait_dma2 semaphore(%run_scoped3A_28 : memref<!tpu.dma_semaphore, #tpu.memory_space<semaphore_mem>>) src(%arg6 : memref<144x256xf32, #tpu.memory_space<vmem>>) dst(%dma_wait3A_36 : memref<144x256xf32, #tpu.memory_space<hbm>>)
      tpu.yield
    }) : () -> ()
    return
  }
}

module attributes {stable_mosaic.version = 14 : i64} {
  func.func @_codebook_body(%arg0: memref<2048x256xf32, #tpu.memory_space<vmem>>, %arg1: memref<1024x2048xf32, #tpu.memory_space<vmem>>, %arg2: memref<1x1024xf32, #tpu.memory_space<vmem>>, %arg3: memref<256x1024xf32, #tpu.memory_space<vmem>>, %arg4: memref<1024x256xf32, #tpu.memory_space<vmem>>, %arg5: memref<1x1024xf32, #tpu.memory_space<vmem>>) attributes {dimension_semantics = [], scalar_prefetch = 0 : i64, scratch_operands = 0 : i64, tpu.core_type = #tpu.core_type<tc>} {
    %get3A = arith.constant 0 : index
    %get3A_0 = arith.constant 0 : index
    %get3A_1 = vector.load %arg0[%get3A, %get3A_0] : memref<2048x256xf32, #tpu.memory_space<vmem>>, vector<2048x256xf32>
    %get3A_2 = arith.constant 0 : index
    %get3A_3 = arith.constant 0 : index
    %get3A_4 = vector.load %arg1[%get3A_2, %get3A_3] : memref<1024x2048xf32, #tpu.memory_space<vmem>>, vector<1024x2048xf32>
    %dot_general3A = arith.constant dense<0.000000e+00> : vector<256x1024xf32>
    %dot_general3A_5 = tpu.matmul %get3A_1, %get3A_4, %dot_general3A {dimension_numbers = #tpu.dot_dimension_numbers<[0], [1], [1], [0], [0, 1, 1, 0], [], []>, transpose_lhs_hint = false} : vector<2048x256xf32>, vector<1024x2048xf32>, vector<256x1024xf32> -> vector<256x1024xf32>
    %get3A_6 = arith.constant 0 : index
    %get3A_7 = arith.constant 0 : index
    %get3A_8 = vector.load %arg2[%get3A_6, %get3A_7] : memref<1x1024xf32, #tpu.memory_space<vmem>>, vector<1x1024xf32>
    %add3A = vector.broadcast %get3A_8 : vector<1x1024xf32> to vector<256x1024xf32>
    %add3A_9 = arith.addf %dot_general3A_5, %add3A : vector<256x1024xf32>
    %swap3A = arith.constant 0 : index
    %swap3A_10 = arith.constant 0 : index
    %swap3A_11 = vector.load %arg3[%swap3A, %swap3A_10] : memref<256x1024xf32, #tpu.memory_space<vmem>>, vector<256x1024xf32>
    tpu.vector_store %arg3[%swap3A, %swap3A_10], %add3A_9 {strides = array<i32>} : memref<256x1024xf32, #tpu.memory_space<vmem>>, vector<256x1024xf32>,
    %transpose3A = tpu.transpose %add3A_9, [1, 0] : vector<256x1024xf32> -> vector<1024x256xf32>
    %swap3A_12 = arith.constant 0 : index
    %swap3A_13 = arith.constant 0 : index
    %swap3A_14 = vector.load %arg4[%swap3A_12, %swap3A_13] : memref<1024x256xf32, #tpu.memory_space<vmem>>, vector<1024x256xf32>
    tpu.vector_store %arg4[%swap3A_12, %swap3A_13], %transpose3A {strides = array<i32>} : memref<1024x256xf32, #tpu.memory_space<vmem>>, vector<1024x256xf32>,
    %integer_pow3A = arith.mulf %add3A_9, %add3A_9 : vector<256x1024xf32>
    %reduce_sum3A = arith.constant dense<0.000000e+00> : vector<1024xf32>
    %reduce_sum3A_15 = vector.multi_reduction <add>, %integer_pow3A, %reduce_sum3A [0] : vector<256x1024xf32> to vector<1024xf32>
    %broadcast_in_dim3A = vector.shape_cast %reduce_sum3A_15 : vector<1024xf32> to vector<1x1024xf32>
    %swap3A_16 = arith.constant 0 : index
    %swap3A_17 = arith.constant 0 : index
    %swap3A_18 = vector.load %arg5[%swap3A_16, %swap3A_17] : memref<1x1024xf32, #tpu.memory_space<vmem>>, vector<1x1024xf32>
    tpu.vector_store %arg5[%swap3A_16, %swap3A_17], %broadcast_in_dim3A {strides = array<i32>} : memref<1x1024xf32, #tpu.memory_space<vmem>>, vector<1x1024xf32>,
    return
  }
}

module attributes {stable_mosaic.version = 14 : i64} {
  func.func @_assign_body(%arg0: i32, %arg1: memref<512x256xf32, #tpu.memory_space<vmem>>, %arg2: memref<256x1024xf32, #tpu.memory_space<vmem>>, %arg3: memref<1x1024xf32, #tpu.memory_space<vmem>>, %arg4: memref<1x512xi32, #tpu.memory_space<vmem>>, %arg5: memref<512x1xi32, #tpu.memory_space<vmem>>, %arg6: memref<1x1024xf32, #tpu.memory_space<vmem>>, %arg7: memref<1x1024xf32, #tpu.memory_space<vmem>>) attributes {dimension_semantics = [#tpu.dimension_semantics<arbitrary>], iteration_bounds = array<i64: 9>, scalar_prefetch = 0 : i64, scratch_operands = 1 : i64, tpu.core_type = #tpu.core_type<tc>, window_params = [{transform_indices = @transform_0, window_bounds = array<i64: 512, 256>}, {pipeline_mode = #tpu.pipeline_mode<synchronous>, transform_indices = @transform_1, window_bounds = array<i64: 256, 1024>}, {pipeline_mode = #tpu.pipeline_mode<synchronous>, transform_indices = @transform_2, window_bounds = array<i64: 1, 1024>}, {transform_indices = @transform_3, window_bounds = array<i64: 1, 512>}, {transform_indices = @transform_4, window_bounds = array<i64: 512, 1>}, {pipeline_mode = #tpu.pipeline_mode<synchronous>, transform_indices = @transform_5, window_bounds = array<i64: 1, 1024>}]} {
    %get3A = arith.constant 0 : index
    %get3A_0 = arith.constant 0 : index
    %get3A_1 = vector.load %arg1[%get3A, %get3A_0] : memref<512x256xf32, #tpu.memory_space<vmem>>, vector<512x256xf32>
    %get3A_2 = arith.constant 0 : index
    %get3A_3 = arith.constant 0 : index
    %get3A_4 = vector.load %arg2[%get3A_2, %get3A_3] : memref<256x1024xf32, #tpu.memory_space<vmem>>, vector<256x1024xf32>
    %integer_pow3A = arith.mulf %get3A_1, %get3A_1 : vector<512x256xf32>
    %reduce_sum3A = arith.constant dense<0.000000e+00> : vector<512xf32>
    %reduce_sum3A_5 = vector.multi_reduction <add>, %integer_pow3A, %reduce_sum3A [1] : vector<512x256xf32> to vector<512xf32>
    %broadcast_in_dim3A = vector.shape_cast %reduce_sum3A_5 : vector<512xf32> to vector<512x1xf32>
    %get3A_6 = arith.constant 0 : index
    %get3A_7 = arith.constant 0 : index
    %get3A_8 = vector.load %arg3[%get3A_6, %get3A_7] : memref<1x1024xf32, #tpu.memory_space<vmem>>, vector<1x1024xf32>
    %dot_general3A = arith.constant dense<0.000000e+00> : vector<512x1024xf32>
    %dot_general3A_9 = tpu.matmul %get3A_1, %get3A_4, %dot_general3A {dimension_numbers = #tpu.dot_dimension_numbers<[1], [0], [0], [1], [0, 0, 1, 1], [], []>, transpose_lhs_hint = false} : vector<512x256xf32>, vector<256x1024xf32>, vector<512x1024xf32> -> vector<512x1024xf32>
    %add3A = vector.broadcast %broadcast_in_dim3A : vector<512x1xf32> to vector<512x1024xf32>
    %add3A_10 = vector.broadcast %get3A_8 : vector<1x1024xf32> to vector<512x1024xf32>
    %add3A_11 = arith.addf %add3A, %add3A_10 : vector<512x1024xf32>
    %mul3A = arith.constant 2.000000e+00 : f32
    %mul3A_12 = vector.broadcast %mul3A : f32 to vector<512x1024xf32>
    %mul3A_13 = arith.mulf %mul3A_12, %dot_general3A_9 : vector<512x1024xf32>
    %sub3A = arith.subf %add3A_11, %mul3A_13 : vector<512x1024xf32>
    %reduce_min3A = arith.constant dense<0x7F800000> : vector<512xf32>
    %reduce_min3A_14 = vector.multi_reduction <minimumf>, %sub3A, %reduce_min3A [1] : vector<512x1024xf32> to vector<512xf32>
    %broadcast_in_dim3A_15 = vector.shape_cast %reduce_min3A_14 : vector<512xf32> to vector<512x1xf32>
    %iota3A = tpu.iota {dimensions = array<i32: 1>} : vector<512x1024xi32>
    %eq3A = vector.broadcast %broadcast_in_dim3A_15 : vector<512x1xf32> to vector<512x1024xf32>
    %eq3A_16 = arith.cmpf oeq, %sub3A, %eq3A : vector<512x1024xf32>
    %jit3A = arith.constant 1024 : i32
    %broadcast_in_dim3A_17 = vector.broadcast %jit3A : i32 to vector<512x1024xi32>
    %select_n3A = arith.select %eq3A_16, %iota3A, %broadcast_in_dim3A_17 : vector<512x1024xi1>, vector<512x1024xi32>
    %reduce_min3A_18 = arith.constant dense<2147483647> : vector<512xi32>
    %reduce_min3A_19 = vector.multi_reduction <minsi>, %select_n3A, %reduce_min3A_18 [1] : vector<512x1024xi32> to vector<512xi32>
    %broadcast_in_dim3A_20 = vector.shape_cast %reduce_min3A_19 : vector<512xi32> to vector<512x1xi32>
    %transpose3A = tpu.transpose %broadcast_in_dim3A_20, [1, 0] : vector<512x1xi32> -> vector<1x512xi32>
    %swap3A = arith.constant 0 : index
    %swap3A_21 = arith.constant 0 : index
    %swap3A_22 = vector.load %arg4[%swap3A, %swap3A_21] : memref<1x512xi32, #tpu.memory_space<vmem>>, vector<1x512xi32>
    tpu.vector_store %arg4[%swap3A, %swap3A_21], %transpose3A {strides = array<i32>} : memref<1x512xi32, #tpu.memory_space<vmem>>, vector<1x512xi32>,
    %swap3A_23 = arith.constant 0 : index
    %swap3A_24 = arith.constant 0 : index
    %swap3A_25 = vector.load %arg5[%swap3A_23, %swap3A_24] : memref<512x1xi32, #tpu.memory_space<vmem>>, vector<512x1xi32>
    tpu.vector_store %arg5[%swap3A_23, %swap3A_24], %broadcast_in_dim3A_20 {strides = array<i32>} : memref<512x1xi32, #tpu.memory_space<vmem>>, vector<512x1xi32>,
    %eq3A_26 = arith.constant 0 : i32
    %eq3A_27 = arith.cmpi eq, %arg0, %eq3A_26 : i32
    %convert_element_type3A = arith.extui %eq3A_27 : i1 to i32
    %cond3A = arith.constant 0 : i32
    %cond3A_28 = arith.cmpi ne, %convert_element_type3A, %cond3A : i32
    scf.if %cond3A_28 {
      %broadcast_in_dim3A_48 = arith.constant 0.000000e+00 : f32
      %broadcast_in_dim3A_49 = vector.broadcast %broadcast_in_dim3A_48 : f32 to vector<1x1024xf32>
      %swap3A_50 = arith.constant 0 : index
      %swap3A_51 = arith.constant 0 : index
      %swap3A_52 = vector.load %arg7[%swap3A_50, %swap3A_51] : memref<1x1024xf32, #tpu.memory_space<vmem>>, vector<1x1024xf32>
      tpu.vector_store %arg7[%swap3A_50, %swap3A_51], %broadcast_in_dim3A_49 {strides = array<i32>} : memref<1x1024xf32, #tpu.memory_space<vmem>>, vector<1x1024xf32>,
    } else {
    }
    %get3A_29 = arith.constant 0 : index
    %get3A_30 = arith.constant 0 : index
    %get3A_31 = vector.load %arg7[%get3A_29, %get3A_30] : memref<1x1024xf32, #tpu.memory_space<vmem>>, vector<1x1024xf32>
    %eq3A_32 = vector.broadcast %broadcast_in_dim3A_20 : vector<512x1xi32> to vector<512x1024xi32>
    %eq3A_33 = arith.cmpi eq, %iota3A, %eq3A_32 : vector<512x1024xi32>
    %convert_element_type3A_34 = arith.extui %eq3A_33 : vector<512x1024xi1> to vector<512x1024xi32>
    %convert_element_type3A_35 = arith.sitofp %convert_element_type3A_34 : vector<512x1024xi32> to vector<512x1024xf32>
    %reduce_sum3A_36 = arith.constant dense<0.000000e+00> : vector<1024xf32>
    %reduce_sum3A_37 = vector.multi_reduction <add>, %convert_element_type3A_35, %reduce_sum3A_36 [0] : vector<512x1024xf32> to vector<1024xf32>
    %broadcast_in_dim3A_38 = vector.shape_cast %reduce_sum3A_37 : vector<1024xf32> to vector<1x1024xf32>
    %add3A_39 = arith.addf %get3A_31, %broadcast_in_dim3A_38 : vector<1x1024xf32>
    %swap3A_40 = arith.constant 0 : index
    %swap3A_41 = arith.constant 0 : index
    %swap3A_42 = vector.load %arg7[%swap3A_40, %swap3A_41] : memref<1x1024xf32, #tpu.memory_space<vmem>>, vector<1x1024xf32>
    tpu.vector_store %arg7[%swap3A_40, %swap3A_41], %add3A_39 {strides = array<i32>} : memref<1x1024xf32, #tpu.memory_space<vmem>>, vector<1x1024xf32>,
    %eq3A_43 = arith.constant 8 : i32
    %eq3A_44 = arith.cmpi eq, %arg0, %eq3A_43 : i32
    %convert_element_type3A_45 = arith.extui %eq3A_44 : i1 to i32
    %cond3A_46 = arith.constant 0 : i32
    %cond3A_47 = arith.cmpi ne, %convert_element_type3A_45, %cond3A_46 : i32
    scf.if %cond3A_47 {
      %get3A_48 = arith.constant 0 : index
      %get3A_49 = arith.constant 0 : index
      %get3A_50 = vector.load %arg7[%get3A_48, %get3A_49] : memref<1x1024xf32, #tpu.memory_space<vmem>>, vector<1x1024xf32>
      %swap3A_51 = arith.constant 0 : index
      %swap3A_52 = arith.constant 0 : index
      %swap3A_53 = vector.load %arg6[%swap3A_51, %swap3A_52] : memref<1x1024xf32, #tpu.memory_space<vmem>>, vector<1x1024xf32>
      tpu.vector_store %arg6[%swap3A_51, %swap3A_52], %get3A_50 {strides = array<i32>} : memref<1x1024xf32, #tpu.memory_space<vmem>>, vector<1x1024xf32>,
    } else {
    }
    return
  }
  func.func @transform_0(%arg0: i32) -> (i32, i32) {
    %c0_i32 = arith.constant 0 : i32
    %c0_i32_0 = arith.constant 0 : i32
    return %arg0, %c0_i32 : i32, i32
  }
  func.func @transform_1(%arg0: i32) -> (i32, i32) {
    %c0_i32 = arith.constant 0 : i32
    %c0_i32_0 = arith.constant 0 : i32
    %c0_i32_1 = arith.constant 0 : i32
    return %c0_i32, %c0_i32_0 : i32, i32
  }
  func.func @transform_2(%arg0: i32) -> (i32, i32) {
    %c0_i32 = arith.constant 0 : i32
    %c0_i32_0 = arith.constant 0 : i32
    %c0_i32_1 = arith.constant 0 : i32
    return %c0_i32, %c0_i32_0 : i32, i32
  }
  func.func @transform_3(%arg0: i32) -> (i32, i32) {
    %c0_i32 = arith.constant 0 : i32
    %c0_i32_0 = arith.constant 0 : i32
    return %c0_i32, %arg0 : i32, i32
  }
  func.func @transform_4(%arg0: i32) -> (i32, i32) {
    %c0_i32 = arith.constant 0 : i32
    %c0_i32_0 = arith.constant 0 : i32
    return %arg0, %c0_i32 : i32, i32
  }
  func.func @transform_5(%arg0: i32) -> (i32, i32) {
    %c0_i32 = arith.constant 0 : i32
    %c0_i32_0 = arith.constant 0 : i32
    %c0_i32_1 = arith.constant 0 : i32
    return %c0_i32, %c0_i32_0 : i32, i32
  }
}

module attributes {stable_mosaic.version = 14 : i64} {
  func.func @_finalize_body(%arg0: memref<4608x256xf32, #tpu.memory_space<vmem>>, %arg1: memref<4608x256xf32, #tpu.memory_space<vmem>>, %arg2: memref<1x1024xf32, #tpu.memory_space<vmem>>, %arg3: memref<4608x256xf32, #tpu.memory_space<vmem>>, %arg4: memref<1x1xf32, #tpu.memory_space<vmem>>, %arg5: memref<1x1xf32, #tpu.memory_space<vmem>>) attributes {dimension_semantics = [], scalar_prefetch = 0 : i64, scratch_operands = 0 : i64, tpu.core_type = #tpu.core_type<tc>} {
    %get3A = arith.constant 0 : index
    %get3A_0 = arith.constant 0 : index
    %get3A_1 = vector.load %arg0[%get3A, %get3A_0] : memref<4608x256xf32, #tpu.memory_space<vmem>>, vector<4608x256xf32>
    %get3A_2 = arith.constant 0 : index
    %get3A_3 = arith.constant 0 : index
    %get3A_4 = vector.load %arg1[%get3A_2, %get3A_3] : memref<4608x256xf32, #tpu.memory_space<vmem>>, vector<4608x256xf32>
    %sub3A = arith.subf %get3A_4, %get3A_1 : vector<4608x256xf32>
    %add3A = arith.addf %get3A_1, %sub3A : vector<4608x256xf32>
    %swap3A = arith.constant 0 : index
    %swap3A_5 = arith.constant 0 : index
    %swap3A_6 = vector.load %arg3[%swap3A, %swap3A_5] : memref<4608x256xf32, #tpu.memory_space<vmem>>, vector<4608x256xf32>
    tpu.vector_store %arg3[%swap3A, %swap3A_5], %add3A {strides = array<i32>} : memref<4608x256xf32, #tpu.memory_space<vmem>>, vector<4608x256xf32>,
    %integer_pow3A = arith.mulf %sub3A, %sub3A : vector<4608x256xf32>
    %reduce_sum3A = vector.shape_cast %integer_pow3A : vector<4608x256xf32> to vector<1x4608x256xf32>
    %reduce_sum3A_7 = arith.constant dense<0.000000e+00> : vector<1xf32>
    %reduce_sum3A_8 = vector.multi_reduction <add>, %reduce_sum3A, %reduce_sum3A_7 [1, 2] : vector<1x4608x256xf32> to vector<1xf32>
    %reduce_sum3A_9 = vector.shape_cast %reduce_sum3A_8 : vector<1xf32> to vector<1x1x1xf32>
    %reduce_sum3A_10 = vector.extract %reduce_sum3A_9[0, 0, 0] : f32 from vector<1x1x1xf32>
    %div3A = arith.constant 0x49900000 : f32
    %div3A_11 = arith.divf %reduce_sum3A_10, %div3A : f32
    %mul3A = arith.constant 2.500000e-01 : f32
    %mul3A_12 = arith.mulf %mul3A, %div3A_11 : f32
    %add3A_13 = arith.addf %div3A_11, %mul3A_12 : f32
    %broadcast_in_dim3A = vector.broadcast %add3A_13 : f32 to vector<1x1xf32>
    %swap3A_14 = arith.constant 0 : index
    %swap3A_15 = arith.constant 0 : index
    %swap3A_16 = vector.load %arg4[%swap3A_14, %swap3A_15] : memref<1x1xf32, #tpu.memory_space<vmem>>, vector<1x1xf32>
    tpu.vector_store %arg4[%swap3A_14, %swap3A_15], %broadcast_in_dim3A {strides = array<i32>} : memref<1x1xf32, #tpu.memory_space<vmem>>, vector<1x1xf32>,
    %get3A_17 = arith.constant 0 : index
    %get3A_18 = arith.constant 0 : index
    %get3A_19 = vector.load %arg2[%get3A_17, %get3A_18] : memref<1x1024xf32, #tpu.memory_space<vmem>>, vector<1x1024xf32>
    %mul3A_20 = arith.constant 2.17013891E-4 : f32
    %mul3A_21 = vector.broadcast %mul3A_20 : f32 to vector<1x1024xf32>
    %mul3A_22 = arith.mulf %get3A_19, %mul3A_21 : vector<1x1024xf32>
    %add3A_23 = arith.constant 1.000000e-10 : f32
    %add3A_24 = vector.broadcast %add3A_23 : f32 to vector<1x1024xf32>
    %add3A_25 = arith.addf %mul3A_22, %add3A_24 : vector<1x1024xf32>
    %log3A = math.log %add3A_25 : vector<1x1024xf32>
    %mul3A_26 = arith.mulf %mul3A_22, %log3A : vector<1x1024xf32>
    %reduce_sum3A_27 = vector.shape_cast %mul3A_26 : vector<1x1024xf32> to vector<1x1x1024xf32>
    %reduce_sum3A_28 = arith.constant dense<0.000000e+00> : vector<1xf32>
    %reduce_sum3A_29 = vector.multi_reduction <add>, %reduce_sum3A_27, %reduce_sum3A_28 [1, 2] : vector<1x1x1024xf32> to vector<1xf32>
    %reduce_sum3A_30 = vector.shape_cast %reduce_sum3A_29 : vector<1xf32> to vector<1x1x1xf32>
    %reduce_sum3A_31 = vector.extract %reduce_sum3A_30[0, 0, 0] : f32 from vector<1x1x1xf32>
    %neg3A = arith.constant 0.000000e+00 : f32
    %neg3A_32 = arith.subf %neg3A, %reduce_sum3A_31 : f32
    %exp3A = math.exp %neg3A_32 : f32
    %broadcast_in_dim3A_33 = vector.broadcast %exp3A : f32 to vector<1x1xf32>
    %swap3A_34 = arith.constant 0 : index
    %swap3A_35 = arith.constant 0 : index
    %swap3A_36 = vector.load %arg5[%swap3A_34, %swap3A_35] : memref<1x1xf32, #tpu.memory_space<vmem>>, vector<1x1xf32>
    tpu.vector_store %arg5[%swap3A_34, %swap3A_35], %broadcast_in_dim3A_33 {strides = array<i32>} : memref<1x1xf32, #tpu.memory_space<vmem>>, vector<1x1xf32>,
    return
  }
}

module attributes {stable_mosaic.version = 14 : i64} {
  func.func @_onehot_body(%arg0: i32, %arg1: memref<512x1xi32, #tpu.memory_space<vmem>>, %arg2: memref<512x1024xf32, #tpu.memory_space<vmem>>) attributes {dimension_semantics = [#tpu.dimension_semantics<arbitrary>], iteration_bounds = array<i64: 9>, scalar_prefetch = 0 : i64, scratch_operands = 0 : i64, tpu.core_type = #tpu.core_type<tc>, window_params = [{transform_indices = @transform_0, window_bounds = array<i64: 512, 1>}, {transform_indices = @transform_1, window_bounds = array<i64: 512, 1024>}]} {
    %iota3A = tpu.iota {dimensions = array<i32: 1>} : vector<512x1024xi32>
    %get3A = arith.constant 0 : index
    %get3A_0 = arith.constant 0 : index
    %get3A_1 = vector.load %arg1[%get3A, %get3A_0] : memref<512x1xi32, #tpu.memory_space<vmem>>, vector<512x1xi32>
    %eq3A = vector.broadcast %get3A_1 : vector<512x1xi32> to vector<512x1024xi32>
    %eq3A_2 = arith.cmpi eq, %iota3A, %eq3A : vector<512x1024xi32>
    %convert_element_type3A = arith.extui %eq3A_2 : vector<512x1024xi1> to vector<512x1024xi32>
    %convert_element_type3A_3 = arith.sitofp %convert_element_type3A : vector<512x1024xi32> to vector<512x1024xf32>
    %swap3A = arith.constant 0 : index
    %swap3A_4 = arith.constant 0 : index
    %swap3A_5 = vector.load %arg2[%swap3A, %swap3A_4] : memref<512x1024xf32, #tpu.memory_space<vmem>>, vector<512x1024xf32>
    tpu.vector_store %arg2[%swap3A, %swap3A_4], %convert_element_type3A_3 {strides = array<i32>} : memref<512x1024xf32, #tpu.memory_space<vmem>>, vector<512x1024xf32>,
    return
  }
  func.func @transform_0(%arg0: i32) -> (i32, i32) {
    %c0_i32 = arith.constant 0 : i32
    %c0_i32_0 = arith.constant 0 : i32
    return %arg0, %c0_i32 : i32, i32
  }
  func.func @transform_1(%arg0: i32) -> (i32, i32) {
    %c0_i32 = arith.constant 0 : i32
    %c0_i32_0 = arith.constant 0 : i32
    return %arg0, %c0_i32 : i32, i32
  }
}

</mosaic_0001>

<sc_bundles>
// kernel: kernel.7.cloned.1.call-start
scs
__scs_entry_jumppad:
0x0: {  	(pc) =	sbr.rel $0x88, $3  }
0x1: {  	(tag) =	ssettag $0x0;
	lr =	simm.s32 $0x1  }
0x2: {  	[smem:$0x3F9D] =	sst lr;
	_ =	strace $0xD0000000  }
0x3: {  	_ = 	snop  }
0x4: {  	_ = 	snop  }
0x5: {  	_ = 	snop  }
0x6: {  	_ = 	snop  }
0x7: {  	_ = 	snop  }
__scs_overlays_trampoline_lowered:
0x8: {  	[smem:$0x3FAC] =	sst s0  }
0x9: {  	[smem:$0x3FAD] =	sst s1  }
0xa: {  	[smem:$0x3FAE] =	sst s2  }
0xb: {  	[smem:$0x3FAF] =	sst s3  }
0xc: {  	[smem:$0x3FB0] =	sst s4  }
0xd: {  	[smem:$0x3FB1] =	sst s5  }
0xe: {  	[smem:$0x3FB2] =	sst s6  }
0xf: {  	[smem:$0x3FB3] =	sst s7  }
0x10: {  	[smem:$0x3FB4] =	sst s8  }
0x11: {  	[smem:$0x3FB5] =	sst s9;
	s0 =	simm.s32 @!p0 $0x0  }
0x12: {  	s1 =	sld [smem:$0x3F9B];
	s0 =	simm.s32 @p0 $0x1  }
0x13: {  	[smem:$0x3FB6] =	sst s0;
	s0 =	simm.s32 @!p1 $0x0  }
0x14: {  	s2 =	sld [smem:$0x3F9A];
	s0 =	simm.s32 @p1 $0x1  }
0x15: {  	[smem:$0x3FB7] =	sst s0;
	s0 =	simm.s32 @!p2 $0x0  }
0x16: {  	s3 =	sld [smem:$0x3FDB];
	s0 =	simm.s32 @p2 $0x1  }
0x17: {  	s4 =	simm.s32 $0x1BF5;
	[smem:$0x3FB9] =	sst s0  }
0x18: {  	s0 =	sld [smem:$0x3F9C];
	_ =	swait.ge [sflag:s4], $0x0  }
0x19: {  	s7 =	sld [smem:$0x3F9D]  }
0x1a: {  	s8 =	sadd.s32 $0xFFFFE003, lr  }
0x1b: {  	s9 =	sadd.s32 $0xFFFFFEF7, lr;
	s5 =	simm.s32 $0xFFFFFFFF;
	p2 =	slt.u32 s8, $0xFFFFF086  }
0x1c: {  	p1 =	slt.u32 s9, $0xF7A;
	s5 =	simm.s32 @!p2 $0x0  }
0x1d: {  	s5 =	simm.s32 @p1 $0x1;
	p0 =	seq.s32 s7, s2  }
0x1e: {  	s7 =	smul.u32 @!p0 $0xF7A, s2;
	p2 =	seq.s32 @!p0 s5, $0x0  }
0x1f: {  	s9 =	smul.u32 $0xF7A, s1;
	s8 =	simm.s32 @!p0 $0x1BF5;
	p2 =	por !p2, p0  }
0x20: {  	[sflag:s8] =	ssyncset.s32 @!p0 $0xFFFFF086;
	s6 =	sadd.s32 @!p0 s3, s7;
	s7 =	simm.s32 @!p0 $0x108  }
0x21: {  	s3 =	sadd.s32 s3, s9;
	s6 =	sadd.s32 @!p0 $0x88, s6;
	s7 =	simm.s32 @p2 $0x1082  }
0x22: {  	[simem:s7], [sflag:s8] =	dma.local @!p0 [hbm:s6], $0xF7A  }
0x23: {  	s9 =	sor.u32 $0xD0000000, s2;
	s6 =	simm.s32 $0x108;
	_ =	swait.ge @!p0 [sflag:s8], $0x0  }
0x24: {  	s3 =	sadd.s32 $0x88, s3;
	s6 =	simm.s32 @!p1 $0x1082;
	[sflag:s4] =	ssyncset.s32 $0xFFFFF086  }
0x25: {  	[simem:s6], [sflag:s4] =	dma.local [hbm:s3], $0xF7A  }
0x26: {  	[smem:$0x3F9D] =	sst s1;
	(tag) =	ssettag s2;
	_ =	strace s9  }
0x27: {  	s1 =	sld [smem:$0x3FAD]  }
0x28: {  	s2 =	sld [smem:$0x3FAE]  }
0x29: {  	s4 =	sld [smem:$0x3FB0]  }
0x2a: {  	p0 =	seq.s32 s5, $0x0;
	s5 =	sld [smem:$0x3FB1]  }
0x2b: {  	s6 =	sld [smem:$0x3FB2]  }
0x2c: {  	s7 =	sld [smem:$0x3FB3]  }
0x2d: {  	s3 =	simm.s32 $0x108;
	s8 =	sld [smem:$0x3FB4]  }
0x2e: {  	s3 =	simm.s32 @!p0 $0x1082;
	s9 =	sld [smem:$0x3FB5]  }
0x2f: {  	lr =	sadd.s32 s0, s3;
	s0 =	sld [smem:$0x3FAC]  }
0x30: {  	s3 =	sld [smem:$0x3FAF]  }
0x31: {  	[smem:$0x3FB8] =	sst s10  }
0x32: {  	s10 =	sld [smem:$0x3FB6];
	_ =	sdelay $0x3  }
0x33: {  	p0 =	seq.s32 s10, $0x1;
	s10 =	sld [smem:$0x3FB8];
	_ =	sdelay $0x3  }
0x34: {  	[smem:$0x3FB8] =	sst s10  }
0x35: {  	s10 =	sld [smem:$0x3FB7];
	_ =	sdelay $0x3  }
0x36: {  	p1 =	seq.s32 s10, $0x1;
	s10 =	sld [smem:$0x3FB8];
	_ =	sdelay $0x3  }
0x37: {  	[smem:$0x3FB8] =	sst s10  }
0x38: {  	s10 =	sld [smem:$0x3FB9]  }
0x39: {  	_ = 	snop;
	(pc) =	sbr.ind lr, $3  }
0x3a: {  	_ = 	snop  }
0x3b: {  	_ = 	snop  }
0x3c: {  	p2 =	seq.s32 s10, $0x1;
	s10 =	sld [smem:$0x3FB8]  }
0x3d: {  	_ =	shalt  }
0x3e: {  	_ =	shalt  }
0x3f: {  	_ =	shalt  }
0x40: {  	_ =	shalt  }
0x41: {  	_ =	shalt  }
0x42: {  	_ =	shalt  }
0x43: {  	_ =	shalt  }
0x44: {  	_ =	shalt  }
0x45: {  	_ =	shalt  }
0x46: {  	_ =	shalt  }
0x47: {  	_ =	shalt  }
0x48: {  	_ =	shalt  }
0x49: {  	_ =	shalt  }
0x4a: {  	_ =	shalt  }
0x4b: {  	_ =	shalt  }
0x4c: {  	_ =	shalt  }
0x4d: {  	_ =	shalt  }
0x4e: {  	_ =	shalt  }
0x4f: {  	_ =	shalt  }
0x50: {  	_ =	shalt  }
0x51: {  	_ =	shalt  }
0x52: {  	_ =	shalt  }
0x53: {  	_ =	shalt  }
0x54: {  	_ =	shalt  }
0x55: {  	_ =	shalt  }
0x56: {  	_ =	shalt  }
0x57: {  	_ =	shalt  }
0x58: {  	_ =	shalt  }
0x59: {  	_ =	shalt  }
0x5a: {  	_ =	shalt  }
0x5b: {  	_ =	shalt  }
0x5c: {  	_ =	shalt  }
0x5d: {  	_ =	shalt  }
0x5e: {  	_ =	shalt  }
0x5f: {  	_ =	shalt  }
0x60: {  	_ =	shalt  }
0x61: {  	_ =	shalt  }
0x62: {  	_ =	shalt  }
0x63: {  	_ =	shalt  }
0x64: {  	_ =	shalt  }
0x65: {  	_ =	shalt  }
0x66: {  	_ =	shalt  }
0x67: {  	_ =	shalt  }
0x68: {  	_ =	shalt  }
0x69: {  	_ =	shalt  }
0x6a: {  	_ =	shalt  }
0x6b: {  	_ =	shalt  }
0x6c: {  	_ =	shalt  }
0x6d: {  	_ =	shalt  }
0x6e: {  	_ =	shalt  }
0x6f: {  	_ =	shalt  }
0x70: {  	_ =	shalt  }
0x71: {  	_ =	shalt  }
0x72: {  	_ =	shalt  }
0x73: {  	_ =	shalt  }
0x74: {  	_ =	shalt  }
0x75: {  	_ =	shalt  }
0x76: {  	_ =	shalt  }
0x77: {  	_ =	shalt  }
0x78: {  	_ =	shalt  }
0x79: {  	_ =	shalt  }
0x7a: {  	_ =	shalt  }
0x7b: {  	_ =	shalt  }
0x7c: {  	_ =	shalt  }
0x7d: {  	_ =	shalt  }
0x7e: {  	_ =	shalt  }
0x7f: {  	_ =	shalt  }
0x80: {  	_ =	shalt  }
0x81: {  	_ =	shalt  }
0x82: {  	_ =	shalt  }
0x83: {  	_ =	shalt  }
0x84: {  	_ =	shalt  }
0x85: {  	_ =	shalt  }
0x86: {  	_ =	shalt  }
0x87: {  	_ =	shalt  }
.Lfunc_end0:
.L_simem_size_0:
called_computation_lowered:
.L_overlay_start_0:
0x88: {  	s2 =	sld [smem:$0x3FD9]  }
0x89: {  	s3 =	sld [smem:$0x3FFE];
	_ =	sdelay $0x1  }
0x8a: {  	s1 =	srdreg.scid  }
0x8b: {  	s0 =	sand.u32 $0x1, s1  }
0x8c: {  	s14 =	sshll.u32 s0, $0xA;
	s2 =	sadd.s32 s3, s2  }
0x8d: {  	s2 =	sadd.s32 s2, s14  }
0x8e: {  	[smem:$0x3FC4] =	sst s2  }
0x8f: {  	_ = 	snop  }
0x90: {  	s2 =	sld [smem:$0x3FD0];
	_ =	sdelay $0x2  }
0x91: {  	s15 =	simm.s32 $0xA;
	s4 =	simm.s32 $0x10  }
0x92: {  	[smem:s4], [sflag:s15] =	dma.local [hbm:s2], $0x1  }
0x93: {  	_ =	swait.eq [sflag:s15], $0x1  }
0x94: {  	[sflag:s15] =	ssyncset.done $0x0  }
0x95: {  	s16 =	sld [smem:$0x11];
	[sflag:s15] =	ssyncadd.s32 $0xFFFFFFFF  }
0x96: {  	s17 =	sld [smem:$0x14];
	(tm) =	ssettm $0x1  }
0x97: {  	s18 =	sld [smem:$0x3FFB];
	_ =	sdelay $0x3  }
0x98: {  	_ =	strace s18  }
0x99: {  	s4 =	sld [smem:$0x3FFC];
	_ =	sdelay $0x3  }
0x9a: {  	_ =	strace s4  }
0x9b: {  	s4 =	sld [smem:$0x3FFD];
	_ =	sdelay $0x3  }
0x9c: {  	_ =	strace s4  }
0x9d: {  	_ =	strace $0x8FFFFFFF  }
0x9e: {  	s19 =	sld [smem:$0x3FDB];
	_ =	sdelay $0x1  }
0x9f: {  	s5 =	simm.s32 $_scs_section_size  }
0xa0: {  	s6 =	simm.s32 $_size__tile_overlayer_lowered;
	s7 =	simm.s32 $_tile_overlayer_lowered  }
0xa1: {  	s22 =	simm.s32 $0x1BFF;
	s21 =	sshll.u32 s7, $0x1;
	s4 =	sadd.s32 s5, s19  }
0xa2: {  	s8 =	simm.s32 $0x0;
	s20 =	sshll.u32 s6, $0x1;
	s6 =	sadd.s32 s21, s4  }
0xa3: {  	[timem:s8], [sflag:s22] =	dma.local [hbm:s6], s20  }
0xa4: {  	_ =	swait.ge [sflag:s22], s20  }
0xa5: {  	s5 =	ssub.s32 $0x0, s20;
	[sflag:s22] =	ssyncset.done $0x0  }
0xa6: {  	[sflag:s22] =	ssyncadd.s32 s5;
	_ =	sdelay $0x1  }
0xa7: {  	s23 =	simm.s32 $0x1B8B  }
0xa8: {  	_ =	swait.ge [sflag:s23], $0x1  }
0xa9: {  	[sflag:s23] =	ssyncset.done $0x0  }
0xaa: {  	s25 =	simm.s32 $0x1B8E;
	s24 =	sld [smem:$0x3FFE];
	[sflag:s23] =	ssyncadd.s32 $0xFFFFFFFF  }
0xab: {  	s26 =	simm.s32 $execute0_lowered;
	[smem:$0x3FD2] =	sst s25  }
0xac: {  	s6 =	sshll.u32 s26, $0x1;
	_ =	strace $0x80000046;
	[dreg:$0x1] =	wrdreg $0xFFFFFFFF  }
0xad: {  	s28 =	simm.s32 $_size_execute0_lowered;
	s4 =	sadd.s32 s4, s6;
	[dreg:$0x0] =	wrdreg $0x0  }
0xae: {  	s6 =	sshll.u32 s28, $0x1;
	[dreg:$0x2] =	wrdreg s4  }
0xaf: {  	[dreg:$0x3] =	wrdreg s6  }
0xb0: {  	[dreg:$0x4] =	wrdreg $0xC0  }
0xb1: {  	_ =	task [dreg:s8], $0x5FFFF  }
0xb2: {  	[dreg:$0x1] =	wrdreg $0xFFFFFFFF  }
0xb3: {  	[dreg:$0x0] =	wrdreg $0x60  }
0xb4: {  	[dreg:$0x2] =	wrdreg s24  }
0xb5: {  	[dreg:$0x3] =	wrdreg s17  }
0xb6: {  	[dreg:$0x4] =	wrdreg s16  }
0xb7: {  	[dreg:$0x5] =	wrdreg $0x9  }
0xb8: {  	_ =	task.clear_ibuf [dreg:s8], $0x6FFFF;
	_ =	strace $0x90000046  }
0xb9: {  	s29 =	simm.s32 $0x9;
	_ =	strace $0x80000048  }
0xba: {  	_ =	swait.ge [sflag:s29], $0x1  }
0xbb: {  	[sflag:s29] =	ssyncadd.s32 $0xFFFFFFFF  }
0xbc: {  	_ =	strace $0x90000048  }
0xbd: {  	_ =	sfence  }
0xbe: {  	s30 =	sld [smem:$0x0];
	_ =	sdelay $0x2  }
0xbf: {  	s31 =	sshll.u32 s1, $0xD;
	s1 =	sshrl.u32 s1, $0x2  }
0xc0: {  	s3 =	sand.u32 $0x4000, s31;
	s1 =	sadd.s32 s1, s30  }
0xc1: {  	s0 =	sor.u32 s3, s0;
	s1 =	sshll.u32 s1, $0x11  }
0xc2: {  	s0 =	sor.u32 s1, s0  }
0xc3: {  	s0 =	sadd.s32 $0x8F2B, s0  }
0xc4: {  	[sflag:s0] =	ssyncadd.remote.s32 $0x1  }
0xc5: {  	_ =	sfence.sel $0xFFFF  }
0xc6: {  	[dreg:$0x0] =	wrdreg $0xFFFFFFFF;
	(pc) =	sbr.abs _section_cstart, $3  }
0xc7: {  	[dreg:$0x1] =	wrdreg $0xFFFFFFFF  }
0xc8: {  	_ =	task.clear_ibuf [dreg:s8], $0x2FFFF;
	_ =	strace $0x9FFFFFFF  }
0xc9: {  	(tm) =	ssettm $0x7FFFFFFF  }
tec
execute0_lowered:
.L_overlay_start_1:
0x0: {  	(tag) =	ssettag $0x1  }
0x1: {  	s3 =	rddreg [dreg:$0x0]  }
0x2: {  	s5 =	rddreg [dreg:$0x1];
	s1 =	srdreg.scid  }
0x3: {  	s0 =	stileid.u32;
	s6 =	rddreg [dreg:$0x2]  }
0x4: {  	s2 =	simm.s32 $0x0;
	s11 =	simm.s32 $0x1100;
	s12 =	simm.s32 $0x1900  }
0x5: {  	s13 =	simm.s32 $0x2100;
	s14 =	simm.s32 $0x2900;
	s15 =	simm.s32 $0x3100  }
0x6: {  	s16 =	simm.s32 $0x3900;
	s17 =	simm.s32 $0x4100;
	s18 =	simm.s32 $0x4900  }
0x7: {  	s19 =	simm.s32 $0x5100;
	s20 =	simm.s32 $0x5900;
	s21 =	simm.s32 $0x6100  }
0x8: {  	s22 =	simm.s32 $0x6900;
	s23 =	simm.s32 $0x7100;
	s24 =	simm.s32 $0x7900  }
0x9: {  	s25 =	simm.s32 $0x8100;
	s4 =	sand.u32 $0x1, s1;
	s7 =	sshll.u32 s0, $0x1  }
0xa: {  	s26 =	simm.s32 $0x8900;
	s28 =	simm.s32 $0x1;
	s7 =	sor.u32 s4, s7  }
0xb: {  	s1 =	rddreg [dreg:$0x3];
	s4 =	ssub.s32 $0x2, s4;
	s8 =	smul.u32 $0x90, s7  }
0xc: {  	[smem:$0x7FF] =	sst s2;
	s9 =	sshrl.u32 s4, $0x1;
	s7 =	smul.u32 $0x1200, s7  }
0xd: {  	s3 =	sadd.s32 $0x1600, s3;
	_ =	strace $0x80000047;
	s9 =	ssub.s32 s4, s9  }
0xe: {  	v2 =	vlaneseq.u32;
	s10 =	sshrl.u32 s8, $0x3;
	s4 =	sand.u32 $0x70, s8;
	s6 =	sadd.s32 s6, s7  }
0xf: {  	vm0 =	vmmov $0xffff;
	v1 =	vshrl.u32 v2, $0x3;
	s7 =	smax.u32 s9, $0x1;
	s8 =	simm.s32 $0x2;
	s10 =	sand.u32 $0x3F0, s10  }
0x10: {  	v0 =	vand.u32 $0x7, v2;
	v2 =	vor.u32 $0x8, v2;
	v1 =	vmul.u32 $0x8, v1;
	s9 =	simm.s32 $0x100;
	s5 =	sadd.s32 s5, s10;
	s10 =	simm.s32 $0x900  }
.LBB2_1:
0x11: {  	[tilespmem:s2], [sflag:$0x2] =	stream.linear.gather [hbm4b:s5+s2], $0x100, $0x38;
	[tilespmem:$0x9100] =	vst v63  }
0x12: {  	_ =	swait.ge [sflag:s8], $0x100  }
0x13: {  	[sflag:s8] =	ssyncset.done $0x0  }
0x14: {  	[sflag:s8] =	ssyncadd.s32 $0xFFFFFF00  }
0x15: {  	v3 =	vld [tilespmem:s4+$0x0];
	_ =	sdelay $0x4  }
0x16: {  	v4 =	vshll.u32 v3, $0x1  }
0x17: {  	v3 =	vand.u32 $0x7, v3;
	v4 =	vand.u32 $0xFFFFFFF0, v4  }
0x18: {  	v3 =	vor.u32 v3, v4  }
0x19: {  	v4 =	vperm.xlane v3, v0;
	_ =	sdelay $0x1  }
0x1a: {  	v3 =	vperm.xlane v3, v2;
	v4 =	vadd.s32 v1, v4;
	_ =	sdelay $0x1  }
0x1b: {  	v3 =	vadd.s32 v1, v3;
	_ =	sdelay $0x2  }
0x1c: {  	[tilespmem:s9], [sflag:$0x1] =	stream.indirect_vreg.gather [hbm4b:s3+s2], $0x80, v4, vm0, $0xb8;
	[tilespmem:$0x9100] =	vst v63  }
0x1d: {  	_ = 	snop  }
0x1e: {  	[tilespmem:s10], [sflag:$0x1] =	stream.indirect_vreg.gather [hbm4b:s3+s2], $0x80, v3, vm0, $0xb8;
	[tilespmem:$0x9100] =	vst v63  }
0x1f: {  	v3 =	vld [tilespmem:s4+$0x10];
	_ =	sdelay $0x4  }
0x20: {  	v56 =	vshll.u32 v3, $0x1  }
0x21: {  	v3 =	vand.u32 $0x7, v3;
	v4 =	vand.u32 $0xFFFFFFF0, v56  }
0x22: {  	v3 =	vor.u32 v3, v4  }
0x23: {  	v4 =	vperm.xlane v3, v0;
	_ =	sdelay $0x1  }
0x24: {  	v3 =	vperm.xlane v3, v2;
	v4 =	vadd.s32 v1, v4;
	_ =	sdelay $0x1  }
0x25: {  	v3 =	vadd.s32 v1, v3;
	_ =	sdelay $0x2  }
0x26: {  	[tilespmem:s11], [sflag:$0x1] =	stream.indirect_vreg.gather [hbm4b:s3+s2], $0x80, v4, vm0, $0xb8;
	[tilespmem:$0x9100] =	vst v63  }
0x27: {  	_ = 	snop  }
0x28: {  	[tilespmem:s12], [sflag:$0x1] =	stream.indirect_vreg.gather [hbm4b:s3+s2], $0x80, v3, vm0, $0xb8;
	[tilespmem:$0x9100] =	vst v63  }
0x29: {  	v3 =	vld [tilespmem:s4+$0x20];
	_ =	sdelay $0x4  }
0x2a: {  	v57 =	vshll.u32 v3, $0x1  }
0x2b: {  	v3 =	vand.u32 $0x7, v3;
	v4 =	vand.u32 $0xFFFFFFF0, v57  }
0x2c: {  	v3 =	vor.u32 v3, v4  }
0x2d: {  	v4 =	vperm.xlane v3, v0;
	_ =	sdelay $0x1  }
0x2e: {  	v3 =	vperm.xlane v3, v2;
	v4 =	vadd.s32 v1, v4;
	_ =	sdelay $0x1  }
0x2f: {  	v3 =	vadd.s32 v1, v3;
	_ =	sdelay $0x2  }
0x30: {  	[tilespmem:s13], [sflag:$0x1] =	stream.indirect_vreg.gather [hbm4b:s3+s2], $0x80, v4, vm0, $0xb8;
	[tilespmem:$0x9100] =	vst v63  }
0x31: {  	_ = 	snop  }
0x32: {  	[tilespmem:s14], [sflag:$0x1] =	stream.indirect_vreg.gather [hbm4b:s3+s2], $0x80, v3, vm0, $0xb8;
	[tilespmem:$0x9100] =	vst v63  }
0x33: {  	v3 =	vld [tilespmem:s4+$0x30];
	_ =	sdelay $0x4  }
0x34: {  	v58 =	vshll.u32 v3, $0x1  }
0x35: {  	v3 =	vand.u32 $0x7, v3;
	v4 =	vand.u32 $0xFFFFFFF0, v58  }
0x36: {  	v3 =	vor.u32 v3, v4  }
0x37: {  	v4 =	vperm.xlane v3, v0;
	_ =	sdelay $0x1  }
0x38: {  	v3 =	vperm.xlane v3, v2;
	v4 =	vadd.s32 v1, v4;
	_ =	sdelay $0x1  }
0x39: {  	v3 =	vadd.s32 v1, v3;
	_ =	sdelay $0x2  }
0x3a: {  	[tilespmem:s15], [sflag:$0x1] =	stream.indirect_vreg.gather [hbm4b:s3+s2], $0x80, v4, vm0, $0xb8;
	[tilespmem:$0x9100] =	vst v63  }
0x3b: {  	_ = 	snop  }
0x3c: {  	[tilespmem:s16], [sflag:$0x1] =	stream.indirect_vreg.gather [hbm4b:s3+s2], $0x80, v3, vm0, $0xb8;
	[tilespmem:$0x9100] =	vst v63  }
0x3d: {  	v3 =	vld [tilespmem:s4+$0x40];
	_ =	sdelay $0x4  }
0x3e: {  	v59 =	vshll.u32 v3, $0x1  }
0x3f: {  	v3 =	vand.u32 $0x7, v3;
	v4 =	vand.u32 $0xFFFFFFF0, v59  }
0x40: {  	v3 =	vor.u32 v3, v4  }
0x41: {  	v4 =	vperm.xlane v3, v0;
	_ =	sdelay $0x1  }
0x42: {  	v3 =	vperm.xlane v3, v2;
	v4 =	vadd.s32 v1, v4;
	_ =	sdelay $0x1  }
0x43: {  	v3 =	vadd.s32 v1, v3;
	_ =	sdelay $0x2  }
0x44: {  	[tilespmem:s17], [sflag:$0x1] =	stream.indirect_vreg.gather [hbm4b:s3+s2], $0x80, v4, vm0, $0xb8;
	[tilespmem:$0x9100] =	vst v63  }
0x45: {  	_ = 	snop  }
0x46: {  	[tilespmem:s18], [sflag:$0x1] =	stream.indirect_vreg.gather [hbm4b:s3+s2], $0x80, v3, vm0, $0xb8;
	[tilespmem:$0x9100] =	vst v63  }
0x47: {  	v3 =	vld [tilespmem:s4+$0x50];
	_ =	sdelay $0x4  }
0x48: {  	v60 =	vshll.u32 v3, $0x1  }
0x49: {  	v3 =	vand.u32 $0x7, v3;
	v4 =	vand.u32 $0xFFFFFFF0, v60  }
0x4a: {  	v3 =	vor.u32 v3, v4  }
0x4b: {  	v4 =	vperm.xlane v3, v0;
	_ =	sdelay $0x1  }
0x4c: {  	v3 =	vperm.xlane v3, v2;
	v4 =	vadd.s32 v1, v4;
	_ =	sdelay $0x1  }
0x4d: {  	v3 =	vadd.s32 v1, v3;
	_ =	sdelay $0x2  }
0x4e: {  	[tilespmem:s19], [sflag:$0x1] =	stream.indirect_vreg.gather [hbm4b:s3+s2], $0x80, v4, vm0, $0xb8;
	[tilespmem:$0x9100] =	vst v63  }
0x4f: {  	_ = 	snop  }
0x50: {  	[tilespmem:s20], [sflag:$0x1] =	stream.indirect_vreg.gather [hbm4b:s3+s2], $0x80, v3, vm0, $0xb8;
	[tilespmem:$0x9100] =	vst v63  }
0x51: {  	v3 =	vld [tilespmem:s4+$0x60];
	_ =	sdelay $0x4  }
0x52: {  	v61 =	vshll.u32 v3, $0x1  }
0x53: {  	v3 =	vand.u32 $0x7, v3;
	v4 =	vand.u32 $0xFFFFFFF0, v61  }
0x54: {  	v3 =	vor.u32 v3, v4  }
0x55: {  	v4 =	vperm.xlane v3, v0;
	_ =	sdelay $0x1  }
0x56: {  	v3 =	vperm.xlane v3, v2;
	v4 =	vadd.s32 v1, v4;
	_ =	sdelay $0x1  }
0x57: {  	v3 =	vadd.s32 v1, v3;
	_ =	sdelay $0x2  }
0x58: {  	[tilespmem:s21], [sflag:$0x1] =	stream.indirect_vreg.gather [hbm4b:s3+s2], $0x80, v4, vm0, $0xb8;
	[tilespmem:$0x9100] =	vst v63  }
0x59: {  	_ = 	snop  }
0x5a: {  	[tilespmem:s22], [sflag:$0x1] =	stream.indirect_vreg.gather [hbm4b:s3+s2], $0x80, v3, vm0, $0xb8;
	[tilespmem:$0x9100] =	vst v63  }
0x5b: {  	v3 =	vld [tilespmem:s4+$0x70];
	_ =	sdelay $0x4  }
0x5c: {  	v62 =	vshll.u32 v3, $0x1  }
0x5d: {  	v3 =	vand.u32 $0x7, v3;
	v4 =	vand.u32 $0xFFFFFFF0, v62  }
0x5e: {  	v3 =	vor.u32 v3, v4  }
0x5f: {  	v4 =	vperm.xlane v3, v0;
	_ =	sdelay $0x1  }
0x60: {  	v3 =	vperm.xlane v3, v2;
	v4 =	vadd.s32 v1, v4;
	_ =	sdelay $0x1  }
0x61: {  	v3 =	vadd.s32 v1, v3;
	_ =	sdelay $0x2  }
0x62: {  	[tilespmem:s23], [sflag:$0x1] =	stream.indirect_vreg.gather [hbm4b:s3+s2], $0x80, v4, vm0, $0xb8;
	[tilespmem:$0x9100] =	vst v63  }
0x63: {  	_ = 	snop  }
0x64: {  	[tilespmem:s24], [sflag:$0x1] =	stream.indirect_vreg.gather [hbm4b:s3+s2], $0x80, v3, vm0, $0xb8;
	[tilespmem:$0x9100] =	vst v63  }
0x65: {  	v3 =	vld [tilespmem:s4+$0x80];
	_ =	sdelay $0x4  }
0x66: {  	v63 =	vshll.u32 v3, $0x1  }
0x67: {  	v3 =	vand.u32 $0x7, v3;
	v4 =	vand.u32 $0xFFFFFFF0, v63  }
0x68: {  	v3 =	vor.u32 v3, v4  }
0x69: {  	v4 =	vperm.xlane v3, v0;
	_ =	sdelay $0x1  }
0x6a: {  	v3 =	vperm.xlane v3, v2;
	v4 =	vadd.s32 v1, v4;
	_ =	sdelay $0x1  }
0x6b: {  	v3 =	vadd.s32 v1, v3;
	_ =	sdelay $0x2  }
0x6c: {  	[tilespmem:s25], [sflag:$0x1] =	stream.indirect_vreg.gather [hbm4b:s3+s2], $0x80, v4, vm0, $0xb8;
	[tilespmem:$0x9100] =	vst v63  }
0x6d: {  	_ = 	snop  }
0x6e: {  	[tilespmem:s26], [sflag:$0x1] =	stream.indirect_vreg.gather [hbm4b:s3+s2], $0x80, v3, vm0, $0xb8;
	[tilespmem:$0x9100] =	vst v63  }
0x6f: {  	_ =	swait.ge [sflag:s28], $0x9000  }
0x70: {  	p0 =	sne.s32 s7, $0x1;
	[sflag:s28] =	ssyncset.done $0x0  }
.Ltmp0:
0x71: {  	[sflag:s28] =	ssyncadd.s32 $0xFFFF7000;
	(pc) =	sbr.rel @p0 .LBB2_1-.Ltmp0, $4  }
0x72: {  	[hbm4b:s6+s2] =	stream.linear.scatter [tilespmem:s9], [sflag:$0x2], $0x9000, $0x38;
	[tilespmem:$0x9100] =	vst v63  }
0x73: {  	_ =	swait.ge [sflag:s8], $0x9000  }
0x74: {  	[sflag:s8] =	ssyncset.done $0x0  }
0x75: {  	s7 =	sadd.s32 $0xFFFFFFFF, s7;
	[sflag:s8] =	ssyncadd.s32 $0xFFFF7000  }
0x76: {  	_ =	sfence.sel $0x180000  }
0x77: {  	[bflag:$0x0] =	sbarrier.arrive $0xFFFF  }
0x78: {  	p0 =	sne.s32 s0, $0x0;
	_ =	strace $0x90000047  }
0x79: {  	s0 =	sadd.s32 @!p0 $0x100000, s1;
	[bflag:$0x2] =	sbarrier.arrive $0xFFFF  }
0x7a: {  	[sflag:s0] =	ssyncadd.tile.s32 @!p0 $0x1;
	_ =	shalt  }
.Lfunc_end2:
_tile_overlayer_lowered:
.L_overlay_start_2:
0x7b: {  	(tag) =	ssettag $0x2  }
0x7c: {  	s0 =	rddreg [dreg:$0x0];
	s2 =	stileid.u32  }
0x7d: {  	s1 =	rddreg [dreg:$0x1];
	p0 =	sne.s32 s2, $0x0  }
0x7e: {  	s3 =	rddreg [dreg:$0x2];
	[bflag:$0x3] =	sbarrier.arrive $0xFFFF;
	s2 =	simm.s32 @!p0 $0x1C02  }
0x7f: {  	[timem:s3], [sflag:s2] =	dma.local @!p0 [hbm:s0], s1  }
0x80: {  	s0 =	simm.s32 @!p0 $0x2  }
0x81: {  	_ =	swait.ge @!p0 [sflag:s0], s1  }
0x82: {  	s1 =	ssub.s32 @!p0 $0x0, s1;
	[sflag:s0] =	ssyncset.done @!p0 $0x0  }
0x83: {  	[sflag:s0] =	ssyncadd.s32 @!p0 s1  }
0x84: {  	[bflag:$0x3] =	sbarrier.arrive $0xFFFF  }
0x85: {  	_ =	shalt  }

</sc_bundles>
